<compile_context>
chip_gen: v7x
topology: tpu7x:2x2x1
jax: 0.10.2.dev20260603
libtpu: 0.0.44.dev20260713+nightly
codegen_flags: <defaults>
</compile_context>

<pallas_src>
import functools

import jax
import jax.numpy as jnp
from jax import lax
from jax.experimental import pallas as pl
from jax.experimental.pallas import tpu as pltpu
from jax.experimental.pallas import tpu_sc as plsc

NUM_INPUTS = 26
STATE_SIZE = 32
CARDINALITY = 100000
BATCH = 16384

NC = 2
NS = 16
NW = NC * NS
COLS = NUM_INPUTS * STATE_SIZE
CPW = COLS // NW
CHUNK = 4096
NCHUNK = BATCH // CHUNK
L = 16

def _make_kernel():
    mesh = plsc.VectorSubcoreMesh(core_axis_name="c", subcore_axis_name="s")

    @functools.partial(
        pl.kernel,
        mesh=mesh,
        out_type=jax.ShapeDtypeStruct((NUM_INPUTS, STATE_SIZE, BATCH), jnp.float32),
        scratch_types=[
            pltpu.VMEM((CARDINALITY,), jnp.float32),
            pltpu.VMEM((BATCH,), jnp.int32),
            pltpu.VMEM((2, CHUNK), jnp.float32),
            pltpu.SemaphoreType.DMA,
            pltpu.SemaphoreType.DMA,
            pltpu.SemaphoreType.DMA,
        ],
        compiler_params=pltpu.CompilerParams(needs_layout_passes=False),
    )
    def col_kernel(xt_hbm, tabt_hbm, out_hbm, col_v, idx_v, res_v, sem_c, sem_i, sem_o):
        wid = lax.axis_index("s") * NC + lax.axis_index("c")

        def fire_col(t, c):
            pltpu.async_copy(tabt_hbm.at[t, c], col_v, sem_c)

        def drain_col(t, c):
            pltpu.make_async_copy(tabt_hbm.at[t, c], col_v, sem_c).wait()

        def write_res(t, c, j, buf):
            pltpu.async_copy(
                res_v.at[buf], out_hbm.at[t, c, pl.ds(j * CHUNK, CHUNK)], sem_o
            )

        def wait_res(t, c, j, buf):
            pltpu.make_async_copy(
                res_v.at[buf], out_hbm.at[t, c, pl.ds(j * CHUNK, CHUNK)], sem_o
            ).wait()

        def do_col(k, _):
            tau = wid * CPW + k
            t = lax.div(tau, STATE_SIZE)
            c = lax.rem(tau, STATE_SIZE)
            fire_col(t, c)

            new_t = jnp.logical_or(k == 0, c == 0)

            @pl.when(new_t)
            def _():
                pltpu.async_copy(xt_hbm.at[t], idx_v, sem_i)
                pltpu.make_async_copy(xt_hbm.at[t], idx_v, sem_i).wait()

            drain_col(t, c)

            def do_chunk(j, _):
                buf = lax.rem(j, 2)

                @pl.when(j >= 2)
                def _():
                    wait_res(t, c, j - 2, buf)

                @plsc.parallel_loop(0, CHUNK, step=L, unroll=16)
                def _(i):
                    idx = idx_v[pl.ds(j * CHUNK + i, L)]
                    res_v[buf, pl.ds(i, L)] = plsc.load_gather(col_v, [idx])
                write_res(t, c, j, buf)
                return ()

            lax.fori_loop(0, NCHUNK, do_chunk, (), unroll=False)
            for j in (NCHUNK - 2, NCHUNK - 1):
                wait_res(t, c, j, j % 2)
            return ()

        lax.fori_loop(0, CPW, do_col, (), unroll=False)

    return col_kernel


_KERNEL = _make_kernel()


@jax.jit
def kernel(x, tables):
    xt = x.T.astype(jnp.int32)
    tabt = tables.transpose(0, 2, 1)
    out = _KERNEL(xt, tabt)
    return out.transpose(0, 2, 1)

# --- scband reference (transcript-rebuilt; emitter-appended) ---
"""Pipeline reference for scband-categorical-input-transformation-2473901162844 (READ-ONLY COPY).

The authoritative reference and input builder live on the scoring server;
editing this copy changes nothing except your own understanding.
"""

import jax, jax.numpy as jnp
import numpy as np

NUM_INPUTS = 26
STATE_SIZE = 32
CARDINALITY = 100000
BATCH = 16384


def setup_inputs(seed: int = 0) -> dict:
    key = jax.random.key(seed)
    k_idx, k_tab = jax.random.split(key)
    x = jax.random.randint(k_idx, (BATCH, NUM_INPUTS), 0, CARDINALITY)
    # One embedding table per categorical input; all cardinalities are equal, so
    # we materialize them as a single stacked tensor [num_inputs, cardinality, state_size].
    tables = jax.random.normal(k_tab, (NUM_INPUTS, CARDINALITY, STATE_SIZE), dtype=jnp.float32)
    return {"x": x, "tables": tables}


def reference(x, tables):
    # Faithful translation: per-input embedding lookup (gather) producing a list
    # of [B, state_size] embeddings; returned stacked as [num_inputs, B, state_size].
    embeddings = []
    for i in range(NUM_INPUTS):
        emb = jnp.take(tables[i], x[:, i], axis=0)
        embeddings.append(emb)
    return jnp.stack(embeddings, axis=0)

if __name__ == "__main__":
    import jax
    _d = setup_inputs()
    print(jax.jit(kernel)(*tuple(_d.values())))

</pallas_src>

<mosaic_0001>
#map = affine_map<(d0, d1) -> (0, 0)>
#map1 = affine_map<(d0, d1) -> (0, 0, 0)>
module attributes {stable_mosaic.version = 14 : i64} {
  func.func @col_kernel(%arg0: i32, %arg1: i32, %arg2: memref<26x16384xi32, #tpu.memory_space<hbm>>, %arg3: memref<26x32x100000xf32, #tpu.memory_space<hbm>>, %arg4: memref<26x32x16384xf32, #tpu.memory_space<hbm>>, %arg5: memref<100000xf32, #tpu.memory_space<vmem>>, %arg6: memref<16384xi32, #tpu.memory_space<vmem>>, %arg7: memref<2x4096xf32, #tpu.memory_space<vmem>>, %arg8: memref<!tpu.dma_semaphore, #tpu.memory_space<semaphore_mem>>, %arg9: memref<!tpu.dma_semaphore, #tpu.memory_space<semaphore_mem>>, %arg10: memref<!tpu.dma_semaphore, #tpu.memory_space<semaphore_mem>>) attributes {dimension_semantics = [#tpu.dimension_semantics<core_parallel>, #tpu.dimension_semantics<subcore_parallel>], iteration_bounds = array<i64: 2, 16>, scalar_prefetch = 0 : i64, scratch_operands = 6 : i64, tpu.core_type = #tpu.core_type<sc_vector_subcore>, window_params = [{transform_indices = #map}, {transform_indices = #map1}, {transform_indices = #map1}]} {
    %mul3A = arith.constant 2 : i32
    %mul3A_0 = arith.muli %arg1, %mul3A : i32
    %add3A = arith.addi %mul3A_0, %arg0 : i32
    %scan3A = arith.constant 0 : i32
    %scan3A_1 = arith.constant 26 : i32
    %scan3A_2 = arith.addi %scan3A, %scan3A_1 : i32
    %scan3A_3 = arith.constant 1 : i32
    scf.for %scan3A_5 = %scan3A to %scan3A_2 step %scan3A_3  : i32 {
      %mul3A_6 = arith.constant 26 : i32
      %mul3A_7 = arith.muli %add3A, %mul3A_6 : i32
      %add3A_8 = arith.addi %mul3A_7, %scan3A_5 : i32
      %div3A = arith.constant 32 : i32
      %div3A_9 = arith.divsi %add3A_8, %div3A : i32
      %rem3A = arith.constant 32 : i32
      %rem3A_10 = arith.remsi %add3A_8, %rem3A : i32
      %dma_start3A = arith.constant 0 : i32
      %dma_start3A_11 = tpu.memref_slice %arg3[%div3A_9, %rem3A_10, %dma_start3A] : memref<26x32x100000xf32, #tpu.memory_space<hbm>> -> memref<1x1x100000xf32, #tpu.memory_space<hbm>>
      %dma_start3A_12 = tpu.memref_squeeze %dma_start3A_11 : memref<1x1x100000xf32, #tpu.memory_space<hbm>> -> memref<100000xf32, #tpu.memory_space<hbm>>
      %dma_start3A_13 = arith.constant 0 : i32
      %dma_start3A_14 = tpu.memref_slice %arg3[%div3A_9, %rem3A_10, %dma_start3A_13] : memref<26x32x100000xf32, #tpu.memory_space<hbm>> -> memref<1x1x100000xf32, #tpu.memory_space<hbm>>
      %dma_start3A_15 = tpu.memref_squeeze %dma_start3A_14 : memref<1x1x100000xf32, #tpu.memory_space<hbm>> -> memref<100000xf32, #tpu.memory_space<hbm>>
      tpu.enqueue_dma source(%dma_start3A_15 : memref<100000xf32, #tpu.memory_space<hbm>>) target(%arg5 : memref<100000xf32, #tpu.memory_space<vmem>>) target_semaphore(%arg8 : memref<!tpu.dma_semaphore, #tpu.memory_space<semaphore_mem>>)
      %eq3A = arith.constant 0 : i32
      %eq3A_16 = arith.cmpi eq, %scan3A_5, %eq3A : i32
      %eq3A_17 = arith.constant 0 : i32
      %eq3A_18 = arith.cmpi eq, %rem3A_10, %eq3A_17 : i32
      %or3A = arith.ori %eq3A_16, %eq3A_18 : i1
      %convert_element_type3A = arith.extui %or3A : i1 to i32
      %cond3A = arith.constant 0 : i32
      %cond3A_19 = arith.cmpi ne, %convert_element_type3A, %cond3A : i32
      scf.if %cond3A_19 {
        %dma_start3A_56 = arith.constant 0 : i32
        %dma_start3A_57 = tpu.memref_slice %arg2[%div3A_9, %dma_start3A_56] : memref<26x16384xi32, #tpu.memory_space<hbm>> -> memref<1x16384xi32, #tpu.memory_space<hbm>>
        %dma_start3A_58 = tpu.memref_squeeze %dma_start3A_57 : memref<1x16384xi32, #tpu.memory_space<hbm>> -> memref<16384xi32, #tpu.memory_space<hbm>>
        %dma_start3A_59 = arith.constant 0 : i32
        %dma_start3A_60 = tpu.memref_slice %arg2[%div3A_9, %dma_start3A_59] : memref<26x16384xi32, #tpu.memory_space<hbm>> -> memref<1x16384xi32, #tpu.memory_space<hbm>>
        %dma_start3A_61 = tpu.memref_squeeze %dma_start3A_60 : memref<1x16384xi32, #tpu.memory_space<hbm>> -> memref<16384xi32, #tpu.memory_space<hbm>>
        tpu.enqueue_dma source(%dma_start3A_61 : memref<16384xi32, #tpu.memory_space<hbm>>) target(%arg6 : memref<16384xi32, #tpu.memory_space<vmem>>) target_semaphore(%arg9 : memref<!tpu.dma_semaphore, #tpu.memory_space<semaphore_mem>>)
        %dma_wait3A_62 = arith.constant 0 : i32
        %dma_wait3A_63 = tpu.memref_slice %arg2[%div3A_9, %dma_wait3A_62] : memref<26x16384xi32, #tpu.memory_space<hbm>> -> memref<1x16384xi32, #tpu.memory_space<hbm>>
        %dma_wait3A_64 = tpu.memref_squeeze %dma_wait3A_63 : memref<1x16384xi32, #tpu.memory_space<hbm>> -> memref<16384xi32, #tpu.memory_space<hbm>>
        %dma_wait3A_65 = arith.constant 0 : i32
        %dma_wait3A_66 = tpu.memref_slice %arg2[%div3A_9, %dma_wait3A_65] : memref<26x16384xi32, #tpu.memory_space<hbm>> -> memref<1x16384xi32, #tpu.memory_space<hbm>>
        %dma_wait3A_67 = tpu.memref_squeeze %dma_wait3A_66 : memref<1x16384xi32, #tpu.memory_space<hbm>> -> memref<16384xi32, #tpu.memory_space<hbm>>
        tpu.wait_dma2 semaphore(%arg9 : memref<!tpu.dma_semaphore, #tpu.memory_space<semaphore_mem>>) src(%dma_wait3A_67 : memref<16384xi32, #tpu.memory_space<hbm>>) dst(%arg6 : memref<16384xi32, #tpu.memory_space<vmem>>)
      } else {
      }
      %dma_wait3A = arith.constant 0 : i32
      %dma_wait3A_20 = tpu.memref_slice %arg3[%div3A_9, %rem3A_10, %dma_wait3A] : memref<26x32x100000xf32, #tpu.memory_space<hbm>> -> memref<1x1x100000xf32, #tpu.memory_space<hbm>>
      %dma_wait3A_21 = tpu.memref_squeeze %dma_wait3A_20 : memref<1x1x100000xf32, #tpu.memory_space<hbm>> -> memref<100000xf32, #tpu.memory_space<hbm>>
      %dma_wait3A_22 = arith.constant 0 : i32
      %dma_wait3A_23 = tpu.memref_slice %arg3[%div3A_9, %rem3A_10, %dma_wait3A_22] : memref<26x32x100000xf32, #tpu.memory_space<hbm>> -> memref<1x1x100000xf32, #tpu.memory_space<hbm>>
      %dma_wait3A_24 = tpu.memref_squeeze %dma_wait3A_23 : memref<1x1x100000xf32, #tpu.memory_space<hbm>> -> memref<100000xf32, #tpu.memory_space<hbm>>
      tpu.wait_dma2 semaphore(%arg8 : memref<!tpu.dma_semaphore, #tpu.memory_space<semaphore_mem>>) src(%dma_wait3A_24 : memref<100000xf32, #tpu.memory_space<hbm>>) dst(%arg5 : memref<100000xf32, #tpu.memory_space<vmem>>)
      %scan3A_25 = arith.constant 0 : i32
      %scan3A_26 = arith.constant 4 : i32
      %scan3A_27 = arith.addi %scan3A_25, %scan3A_26 : i32
      %scan3A_28 = arith.constant 1 : i32
      scf.for %scan3A_56 = %scan3A_25 to %scan3A_27 step %scan3A_28  : i32 {
        %rem3A_57 = arith.constant 2 : i32
        %rem3A_58 = arith.remsi %scan3A_56, %rem3A_57 : i32
        %ge3A = arith.constant 2 : i32
        %ge3A_59 = arith.cmpi sge, %scan3A_56, %ge3A : i32
        %convert_element_type3A_60 = arith.extui %ge3A_59 : i1 to i32
        %cond3A_61 = arith.constant 0 : i32
        %cond3A_62 = arith.cmpi ne, %convert_element_type3A_60, %cond3A_61 : i32
        scf.if %cond3A_62 {
          %sub3A = arith.constant 2 : i32
          %sub3A_77 = arith.subi %scan3A_56, %sub3A : i32
          %mul3A_78 = arith.constant 4096 : i32
          %mul3A_79 = arith.muli %sub3A_77, %mul3A_78 : i32
          %dma_wait3A_80 = arith.constant 0 : i32
          %dma_wait3A_81 = tpu.memref_slice %arg7[%rem3A_58, %dma_wait3A_80] : memref<2x4096xf32, #tpu.memory_space<vmem>> -> memref<1x4096xf32, #tpu.memory_space<vmem>>
          %dma_wait3A_82 = tpu.memref_squeeze %dma_wait3A_81 : memref<1x4096xf32, #tpu.memory_space<vmem>> -> memref<4096xf32, #tpu.memory_space<vmem>>
          %dma_wait3A_83 = tpu.memref_slice %arg4[%div3A_9, %rem3A_10, %mul3A_79] : memref<26x32x16384xf32, #tpu.memory_space<hbm>> -> memref<1x1x4096xf32, #tpu.memory_space<hbm>>
          %dma_wait3A_84 = tpu.memref_squeeze %dma_wait3A_83 : memref<1x1x4096xf32, #tpu.memory_space<hbm>> -> memref<4096xf32, #tpu.memory_space<hbm>>
          %dma_wait3A_85 = tpu.memref_slice %arg4[%div3A_9, %rem3A_10, %mul3A_79] : memref<26x32x16384xf32, #tpu.memory_space<hbm>> -> memref<1x1x4096xf32, #tpu.memory_space<hbm>>
          %dma_wait3A_86 = tpu.memref_squeeze %dma_wait3A_85 : memref<1x1x4096xf32, #tpu.memory_space<hbm>> -> memref<4096xf32, #tpu.memory_space<hbm>>
          %dma_wait3A_87 = arith.constant 0 : i32
          %dma_wait3A_88 = tpu.memref_slice %arg7[%rem3A_58, %dma_wait3A_87] : memref<2x4096xf32, #tpu.memory_space<vmem>> -> memref<1x4096xf32, #tpu.memory_space<vmem>>
          %dma_wait3A_89 = tpu.memref_squeeze %dma_wait3A_88 : memref<1x4096xf32, #tpu.memory_space<vmem>> -> memref<4096xf32, #tpu.memory_space<vmem>>
          tpu.wait_dma2 semaphore(%arg10 : memref<!tpu.dma_semaphore, #tpu.memory_space<semaphore_mem>>) src(%dma_wait3A_89 : memref<4096xf32, #tpu.memory_space<vmem>>) dst(%dma_wait3A_86 : memref<4096xf32, #tpu.memory_space<hbm>>)
        } else {
        }
        %parallel_loop3A = arith.constant 0 : i32
        %parallel_loop3A_63 = arith.constant 4096 : i32
        %parallel_loop3A_64 = arith.constant 16 : i32
        scf.for %parallel_loop3A_77 = %parallel_loop3A to %parallel_loop3A_63 step %parallel_loop3A_64  : i32 {
          %parallel_loop3A_78 = arith.constant 4096 : i32
          %parallel_loop3A_79 = arith.muli %scan3A_56, %parallel_loop3A_78 : i32
          %parallel_loop3A_80 = arith.addi %parallel_loop3A_79, %parallel_loop3A_77 : i32
          %parallel_loop3A_81 = arith.index_cast %parallel_loop3A_80 : i32 to index
          %parallel_loop3A_82 = tpu.vector_load %arg6[%parallel_loop3A_81] {strides = array<i32>} : memref<16384xi32, #tpu.memory_space<vmem>>, vector<16xi32>,
          %parallel_loop3A_83 = tpu.vector_load_idx %arg5[%parallel_loop3A_82] : memref<100000xf32, #tpu.memory_space<vmem>>[vector<16xi32>], vector<16xf32>,
          %parallel_loop3A_84 = arith.index_cast %rem3A_58 : i32 to index
          %parallel_loop3A_85 = arith.index_cast %parallel_loop3A_77 : i32 to index
          %parallel_loop3A_86 = tpu.vector_load %arg7[%parallel_loop3A_84, %parallel_loop3A_85] {strides = array<i32>} : memref<2x4096xf32, #tpu.memory_space<vmem>>, vector<16xf32>,
          tpu.vector_store %arg7[%parallel_loop3A_84, %parallel_loop3A_85], %parallel_loop3A_83 {strides = array<i32>} : memref<2x4096xf32, #tpu.memory_space<vmem>>, vector<16xf32>,
        } {sc.loop_unroll_factor = 16 : i64, sc.parallel_access}
        %mul3A_65 = arith.constant 4096 : i32
        %mul3A_66 = arith.muli %scan3A_56, %mul3A_65 : i32
        %dma_start3A_67 = arith.constant 0 : i32
        %dma_start3A_68 = tpu.memref_slice %arg7[%rem3A_58, %dma_start3A_67] : memref<2x4096xf32, #tpu.memory_space<vmem>> -> memref<1x4096xf32, #tpu.memory_space<vmem>>
        %dma_start3A_69 = tpu.memref_squeeze %dma_start3A_68 : memref<1x4096xf32, #tpu.memory_space<vmem>> -> memref<4096xf32, #tpu.memory_space<vmem>>
        %dma_start3A_70 = tpu.memref_slice %arg4[%div3A_9, %rem3A_10, %mul3A_66] : memref<26x32x16384xf32, #tpu.memory_space<hbm>> -> memref<1x1x4096xf32, #tpu.memory_space<hbm>>
        %dma_start3A_71 = tpu.memref_squeeze %dma_start3A_70 : memref<1x1x4096xf32, #tpu.memory_space<hbm>> -> memref<4096xf32, #tpu.memory_space<hbm>>
        %dma_start3A_72 = tpu.memref_slice %arg4[%div3A_9, %rem3A_10, %mul3A_66] : memref<26x32x16384xf32, #tpu.memory_space<hbm>> -> memref<1x1x4096xf32, #tpu.memory_space<hbm>>
        %dma_start3A_73 = tpu.memref_squeeze %dma_start3A_72 : memref<1x1x4096xf32, #tpu.memory_space<hbm>> -> memref<4096xf32, #tpu.memory_space<hbm>>
        %dma_start3A_74 = arith.constant 0 : i32
        %dma_start3A_75 = tpu.memref_slice %arg7[%rem3A_58, %dma_start3A_74] : memref<2x4096xf32, #tpu.memory_space<vmem>> -> memref<1x4096xf32, #tpu.memory_space<vmem>>
        %dma_start3A_76 = tpu.memref_squeeze %dma_start3A_75 : memref<1x4096xf32, #tpu.memory_space<vmem>> -> memref<4096xf32, #tpu.memory_space<vmem>>
        tpu.enqueue_dma source(%dma_start3A_76 : memref<4096xf32, #tpu.memory_space<vmem>>) target(%dma_start3A_73 : memref<4096xf32, #tpu.memory_space<hbm>>) target_semaphore(%arg10 : memref<!tpu.dma_semaphore, #tpu.memory_space<semaphore_mem>>)
      }
      %scan3A_29 = arith.constant 4 : i32
      %dma_wait3A_30 = arith.constant 0 : i32
      %dma_wait3A_31 = arith.constant 0 : i32
      %dma_wait3A_32 = tpu.memref_slice %arg7[%dma_wait3A_30, %dma_wait3A_31] : memref<2x4096xf32, #tpu.memory_space<vmem>> -> memref<1x4096xf32, #tpu.memory_space<vmem>>
      %dma_wait3A_33 = tpu.memref_squeeze %dma_wait3A_32 : memref<1x4096xf32, #tpu.memory_space<vmem>> -> memref<4096xf32, #tpu.memory_space<vmem>>
      %dma_wait3A_34 = arith.constant 8192 : i32
      %dma_wait3A_35 = tpu.memref_slice %arg4[%div3A_9, %rem3A_10, %dma_wait3A_34] : memref<26x32x16384xf32, #tpu.memory_space<hbm>> -> memref<1x1x4096xf32, #tpu.memory_space<hbm>>
      %dma_wait3A_36 = tpu.memref_squeeze %dma_wait3A_35 : memref<1x1x4096xf32, #tpu.memory_space<hbm>> -> memref<4096xf32, #tpu.memory_space<hbm>>
      %dma_wait3A_37 = arith.constant 8192 : i32
      %dma_wait3A_38 = tpu.memref_slice %arg4[%div3A_9, %rem3A_10, %dma_wait3A_37] : memref<26x32x16384xf32, #tpu.memory_space<hbm>> -> memref<1x1x4096xf32, #tpu.memory_space<hbm>>
      %dma_wait3A_39 = tpu.memref_squeeze %dma_wait3A_38 : memref<1x1x4096xf32, #tpu.memory_space<hbm>> -> memref<4096xf32, #tpu.memory_space<hbm>>
      %dma_wait3A_40 = arith.constant 0 : i32
      %dma_wait3A_41 = tpu.memref_slice %arg7[%dma_wait3A_30, %dma_wait3A_40] : memref<2x4096xf32, #tpu.memory_space<vmem>> -> memref<1x4096xf32, #tpu.memory_space<vmem>>
      %dma_wait3A_42 = tpu.memref_squeeze %dma_wait3A_41 : memref<1x4096xf32, #tpu.memory_space<vmem>> -> memref<4096xf32, #tpu.memory_space<vmem>>
      tpu.wait_dma2 semaphore(%arg10 : memref<!tpu.dma_semaphore, #tpu.memory_space<semaphore_mem>>) src(%dma_wait3A_42 : memref<4096xf32, #tpu.memory_space<vmem>>) dst(%dma_wait3A_39 : memref<4096xf32, #tpu.memory_space<hbm>>)
      %dma_wait3A_43 = arith.constant 1 : i32
      %dma_wait3A_44 = arith.constant 0 : i32
      %dma_wait3A_45 = tpu.memref_slice %arg7[%dma_wait3A_43, %dma_wait3A_44] : memref<2x4096xf32, #tpu.memory_space<vmem>> -> memref<1x4096xf32, #tpu.memory_space<vmem>>
      %dma_wait3A_46 = tpu.memref_squeeze %dma_wait3A_45 : memref<1x4096xf32, #tpu.memory_space<vmem>> -> memref<4096xf32, #tpu.memory_space<vmem>>
      %dma_wait3A_47 = arith.constant 12288 : i32
      %dma_wait3A_48 = tpu.memref_slice %arg4[%div3A_9, %rem3A_10, %dma_wait3A_47] : memref<26x32x16384xf32, #tpu.memory_space<hbm>> -> memref<1x1x4096xf32, #tpu.memory_space<hbm>>
      %dma_wait3A_49 = tpu.memref_squeeze %dma_wait3A_48 : memref<1x1x4096xf32, #tpu.memory_space<hbm>> -> memref<4096xf32, #tpu.memory_space<hbm>>
      %dma_wait3A_50 = arith.constant 12288 : i32
      %dma_wait3A_51 = tpu.memref_slice %arg4[%div3A_9, %rem3A_10, %dma_wait3A_50] : memref<26x32x16384xf32, #tpu.memory_space<hbm>> -> memref<1x1x4096xf32, #tpu.memory_space<hbm>>
      %dma_wait3A_52 = tpu.memref_squeeze %dma_wait3A_51 : memref<1x1x4096xf32, #tpu.memory_space<hbm>> -> memref<4096xf32, #tpu.memory_space<hbm>>
      %dma_wait3A_53 = arith.constant 0 : i32
      %dma_wait3A_54 = tpu.memref_slice %arg7[%dma_wait3A_43, %dma_wait3A_53] : memref<2x4096xf32, #tpu.memory_space<vmem>> -> memref<1x4096xf32, #tpu.memory_space<vmem>>
      %dma_wait3A_55 = tpu.memref_squeeze %dma_wait3A_54 : memref<1x4096xf32, #tpu.memory_space<vmem>> -> memref<4096xf32, #tpu.memory_space<vmem>>
      tpu.wait_dma2 semaphore(%arg10 : memref<!tpu.dma_semaphore, #tpu.memory_space<semaphore_mem>>) src(%dma_wait3A_55 : memref<4096xf32, #tpu.memory_space<vmem>>) dst(%dma_wait3A_52 : memref<4096xf32, #tpu.memory_space<hbm>>)
    }
    %scan3A_4 = arith.constant 26 : i32
    return
  }
}

</mosaic_0001>

<sc_bundles>
// kernel: kernel.3.cloned.1.call-start
scs
__scs_entry_jumppad:
0x0: {  	(pc) =	sbr.rel $0x88, $3  }
0x1: {  	(tag) =	ssettag $0x0;
	lr =	simm.s32 $0x1  }
0x2: {  	[smem:$0x3F9F] =	sst lr;
	_ =	strace $0xD0000000  }
0x3: {  	_ = 	snop  }
0x4: {  	_ = 	snop  }
0x5: {  	_ = 	snop  }
0x6: {  	_ = 	snop  }
0x7: {  	_ = 	snop  }
__scs_overlays_trampoline_lowered:
0x8: {  	[smem:$0x3FAE] =	sst s0  }
0x9: {  	[smem:$0x3FAF] =	sst s1  }
0xa: {  	[smem:$0x3FB0] =	sst s2  }
0xb: {  	[smem:$0x3FB1] =	sst s3  }
0xc: {  	[smem:$0x3FB2] =	sst s4  }
0xd: {  	[smem:$0x3FB3] =	sst s5  }
0xe: {  	[smem:$0x3FB4] =	sst s6  }
0xf: {  	[smem:$0x3FB5] =	sst s7  }
0x10: {  	[smem:$0x3FB6] =	sst s8  }
0x11: {  	[smem:$0x3FB7] =	sst s9;
	s0 =	simm.s32 @!p0 $0x0  }
0x12: {  	s1 =	sld [smem:$0x3F9D];
	s0 =	simm.s32 @p0 $0x1  }
0x13: {  	[smem:$0x3FB8] =	sst s0;
	s0 =	simm.s32 @!p1 $0x0  }
0x14: {  	s2 =	sld [smem:$0x3F9C];
	s0 =	simm.s32 @p1 $0x1  }
0x15: {  	[smem:$0x3FB9] =	sst s0;
	s0 =	simm.s32 @!p2 $0x0  }
0x16: {  	s3 =	sld [smem:$0x3FDB];
	s0 =	simm.s32 @p2 $0x1  }
0x17: {  	s4 =	simm.s32 $0x1BF5;
	[smem:$0x3FBB] =	sst s0  }
0x18: {  	s0 =	sld [smem:$0x3F9E];
	_ =	swait.ge [sflag:s4], $0x0  }
0x19: {  	s7 =	sld [smem:$0x3F9F]  }
0x1a: {  	s8 =	sadd.s32 $0xFFFFE003, lr  }
0x1b: {  	s9 =	sadd.s32 $0xFFFFFEF7, lr;
	s5 =	simm.s32 $0xFFFFFFFF;
	p2 =	slt.u32 s8, $0xFFFFF086  }
0x1c: {  	p1 =	slt.u32 s9, $0xF7A;
	s5 =	simm.s32 @!p2 $0x0  }
0x1d: {  	s5 =	simm.s32 @p1 $0x1;
	p0 =	seq.s32 s7, s2  }
0x1e: {  	s7 =	smul.u32 @!p0 $0xF7A, s2;
	p2 =	seq.s32 @!p0 s5, $0x0  }
0x1f: {  	s9 =	smul.u32 $0xF7A, s1;
	s8 =	simm.s32 @!p0 $0x1BF5;
	p2 =	por !p2, p0  }
0x20: {  	[sflag:s8] =	ssyncset.s32 @!p0 $0xFFFFF086;
	s6 =	sadd.s32 @!p0 s3, s7;
	s7 =	simm.s32 @!p0 $0x108  }
0x21: {  	s3 =	sadd.s32 s3, s9;
	s6 =	sadd.s32 @!p0 $0x88, s6;
	s7 =	simm.s32 @p2 $0x1082  }
0x22: {  	[simem:s7], [sflag:s8] =	dma.local @!p0 [hbm:s6], $0xF7A  }
0x23: {  	s9 =	sor.u32 $0xD0000000, s2;
	s6 =	simm.s32 $0x108;
	_ =	swait.ge @!p0 [sflag:s8], $0x0  }
0x24: {  	s3 =	sadd.s32 $0x88, s3;
	s6 =	simm.s32 @!p1 $0x1082;
	[sflag:s4] =	ssyncset.s32 $0xFFFFF086  }
0x25: {  	[simem:s6], [sflag:s4] =	dma.local [hbm:s3], $0xF7A  }
0x26: {  	[smem:$0x3F9F] =	sst s1;
	(tag) =	ssettag s2;
	_ =	strace s9  }
0x27: {  	s1 =	sld [smem:$0x3FAF]  }
0x28: {  	s2 =	sld [smem:$0x3FB0]  }
0x29: {  	s4 =	sld [smem:$0x3FB2]  }
0x2a: {  	p0 =	seq.s32 s5, $0x0;
	s5 =	sld [smem:$0x3FB3]  }
0x2b: {  	s6 =	sld [smem:$0x3FB4]  }
0x2c: {  	s7 =	sld [smem:$0x3FB5]  }
0x2d: {  	s3 =	simm.s32 $0x108;
	s8 =	sld [smem:$0x3FB6]  }
0x2e: {  	s3 =	simm.s32 @!p0 $0x1082;
	s9 =	sld [smem:$0x3FB7]  }
0x2f: {  	lr =	sadd.s32 s0, s3;
	s0 =	sld [smem:$0x3FAE]  }
0x30: {  	s3 =	sld [smem:$0x3FB1]  }
0x31: {  	[smem:$0x3FBA] =	sst s10  }
0x32: {  	s10 =	sld [smem:$0x3FB8];
	_ =	sdelay $0x3  }
0x33: {  	p0 =	seq.s32 s10, $0x1;
	s10 =	sld [smem:$0x3FBA];
	_ =	sdelay $0x3  }
0x34: {  	[smem:$0x3FBA] =	sst s10  }
0x35: {  	s10 =	sld [smem:$0x3FB9];
	_ =	sdelay $0x3  }
0x36: {  	p1 =	seq.s32 s10, $0x1;
	s10 =	sld [smem:$0x3FBA];
	_ =	sdelay $0x3  }
0x37: {  	[smem:$0x3FBA] =	sst s10  }
0x38: {  	s10 =	sld [smem:$0x3FBB]  }
0x39: {  	_ = 	snop;
	(pc) =	sbr.ind lr, $3  }
0x3a: {  	_ = 	snop  }
0x3b: {  	_ = 	snop  }
0x3c: {  	p2 =	seq.s32 s10, $0x1;
	s10 =	sld [smem:$0x3FBA]  }
0x3d: {  	_ =	shalt  }
0x3e: {  	_ =	shalt  }
0x3f: {  	_ =	shalt  }
0x40: {  	_ =	shalt  }
0x41: {  	_ =	shalt  }
0x42: {  	_ =	shalt  }
0x43: {  	_ =	shalt  }
0x44: {  	_ =	shalt  }
0x45: {  	_ =	shalt  }
0x46: {  	_ =	shalt  }
0x47: {  	_ =	shalt  }
0x48: {  	_ =	shalt  }
0x49: {  	_ =	shalt  }
0x4a: {  	_ =	shalt  }
0x4b: {  	_ =	shalt  }
0x4c: {  	_ =	shalt  }
0x4d: {  	_ =	shalt  }
0x4e: {  	_ =	shalt  }
0x4f: {  	_ =	shalt  }
0x50: {  	_ =	shalt  }
0x51: {  	_ =	shalt  }
0x52: {  	_ =	shalt  }
0x53: {  	_ =	shalt  }
0x54: {  	_ =	shalt  }
0x55: {  	_ =	shalt  }
0x56: {  	_ =	shalt  }
0x57: {  	_ =	shalt  }
0x58: {  	_ =	shalt  }
0x59: {  	_ =	shalt  }
0x5a: {  	_ =	shalt  }
0x5b: {  	_ =	shalt  }
0x5c: {  	_ =	shalt  }
0x5d: {  	_ =	shalt  }
0x5e: {  	_ =	shalt  }
0x5f: {  	_ =	shalt  }
0x60: {  	_ =	shalt  }
0x61: {  	_ =	shalt  }
0x62: {  	_ =	shalt  }
0x63: {  	_ =	shalt  }
0x64: {  	_ =	shalt  }
0x65: {  	_ =	shalt  }
0x66: {  	_ =	shalt  }
0x67: {  	_ =	shalt  }
0x68: {  	_ =	shalt  }
0x69: {  	_ =	shalt  }
0x6a: {  	_ =	shalt  }
0x6b: {  	_ =	shalt  }
0x6c: {  	_ =	shalt  }
0x6d: {  	_ =	shalt  }
0x6e: {  	_ =	shalt  }
0x6f: {  	_ =	shalt  }
0x70: {  	_ =	shalt  }
0x71: {  	_ =	shalt  }
0x72: {  	_ =	shalt  }
0x73: {  	_ =	shalt  }
0x74: {  	_ =	shalt  }
0x75: {  	_ =	shalt  }
0x76: {  	_ =	shalt  }
0x77: {  	_ =	shalt  }
0x78: {  	_ =	shalt  }
0x79: {  	_ =	shalt  }
0x7a: {  	_ =	shalt  }
0x7b: {  	_ =	shalt  }
0x7c: {  	_ =	shalt  }
0x7d: {  	_ =	shalt  }
0x7e: {  	_ =	shalt  }
0x7f: {  	_ =	shalt  }
0x80: {  	_ =	shalt  }
0x81: {  	_ =	shalt  }
0x82: {  	_ =	shalt  }
0x83: {  	_ =	shalt  }
0x84: {  	_ =	shalt  }
0x85: {  	_ =	shalt  }
0x86: {  	_ =	shalt  }
0x87: {  	_ =	shalt  }
.Lfunc_end0:
.L_simem_size_0:
called_computation_lowered:
.L_overlay_start_0:
0x88: {  	s2 =	sld [smem:$0x3FD9]  }
0x89: {  	s3 =	sld [smem:$0x3FFE];
	_ =	sdelay $0x1  }
0x8a: {  	s1 =	srdreg.scid  }
0x8b: {  	s0 =	sand.u32 $0x1, s1  }
0x8c: {  	s18 =	sshll.u32 s0, $0xA;
	s2 =	sadd.s32 s3, s2  }
0x8d: {  	s2 =	sadd.s32 s2, s18  }
0x8e: {  	[smem:$0x3FC6] =	sst s2  }
0x8f: {  	_ = 	snop  }
0x90: {  	s2 =	sld [smem:$0x3FC9]  }
0x91: {  	s19 =	sld [smem:$0x3FC8]  }
0x92: {  	s4 =	sld [smem:$0x3FD0];
	(tm) =	ssettm $0x1  }
0x93: {  	s5 =	sld [smem:$0x3FFB];
	_ =	sdelay $0x3  }
0x94: {  	_ =	strace s5  }
0x95: {  	s5 =	sld [smem:$0x3FFC];
	_ =	sdelay $0x3  }
0x96: {  	_ =	strace s5  }
0x97: {  	s5 =	sld [smem:$0x3FFD];
	_ =	sdelay $0x3  }
0x98: {  	_ =	strace s5  }
0x99: {  	_ =	strace $0x8FFFFFFF  }
0x9a: {  	s20 =	sld [smem:$0x3FDB];
	_ =	sdelay $0x1  }
0x9b: {  	s6 =	simm.s32 $_scs_section_size  }
0x9c: {  	s7 =	simm.s32 $_size__tile_overlayer_lowered;
	s8 =	simm.s32 $_tile_overlayer_lowered  }
0x9d: {  	s23 =	simm.s32 $0x1BFF;
	s22 =	sshll.u32 s8, $0x1;
	s5 =	sadd.s32 s6, s20  }
0x9e: {  	s9 =	simm.s32 $0x0;
	s21 =	sshll.u32 s7, $0x1;
	s7 =	sadd.s32 s22, s5  }
0x9f: {  	[timem:s9], [sflag:s23] =	dma.local [hbm:s7], s21  }
0xa0: {  	_ =	swait.ge [sflag:s23], s21  }
0xa1: {  	s6 =	ssub.s32 $0x0, s21;
	[sflag:s23] =	ssyncset.done $0x0  }
0xa2: {  	[sflag:s23] =	ssyncadd.s32 s6;
	_ =	sdelay $0x1  }
0xa3: {  	s24 =	simm.s32 $0x1B8B  }
0xa4: {  	_ =	swait.ge [sflag:s24], $0x1  }
0xa5: {  	[sflag:s24] =	ssyncset.done $0x0  }
0xa6: {  	s25 =	simm.s32 $0x1B8E;
	[sflag:s24] =	ssyncadd.s32 $0xFFFFFFFF  }
0xa7: {  	s26 =	simm.s32 $execute0_lowered;
	[smem:$0x3FD2] =	sst s25  }
0xa8: {  	s6 =	sshll.u32 s26, $0x1;
	_ =	strace $0x80000046;
	[dreg:$0x1] =	wrdreg $0xFFFFFFFF  }
0xa9: {  	s28 =	simm.s32 $_size_execute0_lowered;
	s5 =	sadd.s32 s5, s6;
	[dreg:$0x0] =	wrdreg $0x0  }
0xaa: {  	s6 =	sshll.u32 s28, $0x1;
	[dreg:$0x2] =	wrdreg s5  }
0xab: {  	[dreg:$0x3] =	wrdreg s6  }
0xac: {  	[dreg:$0x4] =	wrdreg $0xC0  }
0xad: {  	_ =	task [dreg:s9], $0x5FFFF  }
0xae: {  	[dreg:$0x1] =	wrdreg $0xFFFFFFFF  }
0xaf: {  	[dreg:$0x0] =	wrdreg $0x60  }
0xb0: {  	[dreg:$0x2] =	wrdreg s2  }
0xb1: {  	[dreg:$0x3] =	wrdreg s19  }
0xb2: {  	[dreg:$0x4] =	wrdreg s4  }
0xb3: {  	[dreg:$0x5] =	wrdreg $0x9  }
0xb4: {  	_ =	task.clear_ibuf [dreg:s9], $0x6FFFF;
	_ =	strace $0x90000046  }
0xb5: {  	s29 =	simm.s32 $0x9;
	_ =	strace $0x80000048  }
0xb6: {  	_ =	swait.ge [sflag:s29], $0x1  }
0xb7: {  	[sflag:s29] =	ssyncadd.s32 $0xFFFFFFFF  }
0xb8: {  	_ =	strace $0x90000048  }
0xb9: {  	_ =	sfence  }
0xba: {  	s30 =	sld [smem:$0x0];
	_ =	sdelay $0x2  }
0xbb: {  	s31 =	sshll.u32 s1, $0xD;
	s1 =	sshrl.u32 s1, $0x2  }
0xbc: {  	s3 =	sand.u32 $0x4000, s31;
	s1 =	sadd.s32 s1, s30  }
0xbd: {  	s0 =	sor.u32 s3, s0;
	s1 =	sshll.u32 s1, $0x11  }
0xbe: {  	s0 =	sor.u32 s1, s0  }
0xbf: {  	s0 =	sadd.s32 $0x8F2B, s0  }
0xc0: {  	[sflag:s0] =	ssyncadd.remote.s32 $0x1  }
0xc1: {  	_ =	sfence.sel $0xFFFF  }
0xc2: {  	[dreg:$0x0] =	wrdreg $0xFFFFFFFF;
	(pc) =	sbr.abs _section_cstart, $3  }
0xc3: {  	[dreg:$0x1] =	wrdreg $0xFFFFFFFF  }
0xc4: {  	_ =	task.clear_ibuf [dreg:s9], $0x2FFFF;
	_ =	strace $0x9FFFFFFF  }
0xc5: {  	(tm) =	ssettm $0x7FFFFFFF  }
tec
execute0_lowered:
.L_overlay_start_1:
0x0: {  	(tag) =	ssettag $0x1  }
0x1: {  	s1 =	rddreg [dreg:$0x0]  }
0x2: {  	s2 =	rddreg [dreg:$0x1]  }
0x3: {  	s3 =	rddreg [dreg:$0x2]  }
0x4: {  	s4 =	srdreg.scid;
	s0 =	rddreg [dreg:$0x3];
	s5 =	simm.s32 $0x0  }
0x5: {  	s10 =	simm.s32 $0x18700;
	s11 =	simm.s32 $0x2;
	s12 =	simm.s32 $0x1  }
0x6: {  	s13 =	simm.s32 $0x3;
	s14 =	simm.s32 $0x0;
	s6 =	sand.u32 $0x1, s4  }
0x7: {  	s4 =	stileid.u32;
	[smem:$0x7FF] =	sst s5;
	s7 =	ssub.s32 $0x2, s6  }
0x8: {  	s9 =	sshll.u32 s4, $0x1;
	_ =	strace $0x80000047;
	s8 =	sshrl.u32 s7, $0x1  }
0x9: {  	s6 =	sor.u32 s6, s9;
	s9 =	simm.s32 $0x400;
	s7 =	ssub.s32 s7, s8  }
0xa: {  	s6 =	smul.u32 $0x1A, s6;
	s8 =	simm.s32 $0x80;
	s7 =	smax.u32 s7, $0x1  }
.LBB2_1:
0xb: {  	s15 =	simm.s32 $0x0  }
.LBB2_2:
0xc: {  	s18 =	sadd.s32 s6, s15  }
0xd: {  	s16 =	sshrl.u32 s18, $0x5;
	s19 =	sand.u32 $0x1F, s18  }
0xe: {  	s17 =	sshrl.u32 s19, $0x3;
	s20 =	smul.u32 $0x30E000, s16  }
0xf: {  	s21 =	smul.u32 $0xC3800, s17  }
0x10: {  	s18 =	sshll.u32 s18, $0x7  }
0x11: {  	p0 =	seq.s32 s15, $0x0;
	s18 =	sand.u32 $0x380, s18;
	s20 =	sadd.s32 s20, s21  }
0x12: {  	p1 =	sne.s32 @!p0 s19, $0x0;
	s20 =	sor.u32 s18, s20  }
0x13: {  	p0 =	por p0, !p1;
	s20 =	sshrl.u32 s20, $0x3  }
0x14: {  	s19 =	sshll.u32 @p0 s16, $0x4;
	s20 =	sadd.s32 s2, s20  }
0x15: {  	[tilespmem:s5], [sflag:$0x1] =	stream.strided.gather [hbm4b:s20+s8], $0x18700, s9, s8, $0x38;
	[tilespmem:$0x1E700] =	vst v63  }
0x16: {  	s19 =	sand.u32 @p0 $0x70, s19;
	s20 =	sshll.u32 @p0 s16, $0xB  }
0x17: {  	s19 =	sadd.s32 @p0 s1, s19;
	s20 =	sand.u32 @p0 $0xFFFC000, s20  }
0x18: {  	s19 =	sadd.s32 @p0 s20, s19  }
0x19: {  	[tilespmem:s10], [sflag:$0x2] =	stream.strided.gather @p0 [hbm4b:s19+s8], $0x4000, s9, s8, $0x38;
	[tilespmem:$0x1E700] =	vst v63  }
0x1a: {  	_ =	swait.ge @p0 [sflag:s11], $0x4000  }
0x1b: {  	[sflag:s11] =	ssyncset.done @p0 $0x0  }
0x1c: {  	s17 =	sshll.u32 s17, $0x11;
	s16 =	sshll.u32 s16, $0x13;
	[sflag:s11] =	ssyncadd.s32 @p0 $0xFFFFC000  }
0x1d: {  	s16 =	sor.u32 s16, s17;
	_ =	swait.ge [sflag:s12], $0x18700  }
0x1e: {  	s17 =	simm.s32 $0x0;
	s16 =	sor.u32 s18, s16;
	[sflag:s12] =	ssyncset.done $0x0  }
0x1f: {  	s18 =	simm.s32 $0x18780;
	p0 =	por $0x0, $0x0;
	[sflag:s12] =	ssyncadd.s32 $0xFFFE7900  }
.LBB2_3:
0x20: {  	p1 =	slt.u32 s17, $0x2  }
0x21: {  	s19 =	simm.s32 @!p1 $0x3  }
0x22: {  	_ =	swait.ge @!p1 [sflag:s19], $0x1000  }
0x23: {  	[sflag:s19] =	ssyncset.done @!p1 $0x0  }
0x24: {  	[sflag:s19] =	ssyncadd.s32 @!p1 $0xFFFFF000  }
0x25: {  	v0 =	vld [tilespmem:s18+$0x70]  }
0x26: {  	v1 =	vld [tilespmem:s18+$0xFFFFFF90]  }
0x27: {  	v2 =	vld [tilespmem:s18+$0xFFFFFFA0]  }
0x28: {  	v3 =	vld [tilespmem:s18+$0xFFFFFFB0]  }
0x29: {  	v4 =	vld [tilespmem:s18+$0xFFFFFFC0]  }
0x2a: {  	v5 =	vld [tilespmem:s18+$0xFFFFFFD0]  }
0x2b: {  	v6 =	vld [tilespmem:s18+$0xFFFFFFE0]  }
0x2c: {  	v7 =	vld [tilespmem:s18+$0xFFFFFFF0]  }
0x2d: {  	v8 =	vld [tilespmem:s18+$0x0]  }
0x2e: {  	v9 =	vld [tilespmem:s18+$0x10]  }
0x2f: {  	v10 =	vld [tilespmem:s18+$0x20]  }
0x30: {  	v11 =	vld [tilespmem:s18+$0x30]  }
0x31: {  	v12 =	vld [tilespmem:s18+$0x40]  }
0x32: {  	v13 =	vld [tilespmem:s18+$0x50]  }
0x33: {  	v14 =	vld [tilespmem:s18+$0x60]  }
0x34: {  	v15 =	vld [tilespmem:s18+$0xFFFFFF80]  }
0x35: {  	v0 =	vld.idx.msk [tilespmem:v0+s5+$0x0], $0xffff  }
0x36: {  	v1 =	vld.idx.msk [tilespmem:v1+s5+$0x0], $0xffff  }
0x37: {  	s19 =	simm.s32 $0x1;
	v2 =	vld.idx.msk [tilespmem:v2+s5+$0x0], $0xffff  }
0x38: {  	s19 =	simm.s32 @!p0 $0x0;
	v3 =	vld.idx.msk [tilespmem:v3+s5+$0x0], $0xffff  }
0x39: {  	s20 =	sshll.u32 s19, $0x7;
	v4 =	vld.idx.msk [tilespmem:v4+s5+$0x0], $0xffff  }
0x3a: {  	s19 =	sor.u32 $0x1C800, s20;
	v5 =	vld.idx.msk [tilespmem:v5+s5+$0x0], $0xffff  }
0x3b: {  	v6 =	vld.idx.msk [tilespmem:v6+s5+$0x0], $0xffff;
	[tilespmem:s19+$0x70] =	vst v0  }
0x3c: {  	v7 =	vld.idx.msk [tilespmem:v7+s5+$0x0], $0xffff;
	[tilespmem:s19+$0xFFFFFF10] =	vst v1  }
0x3d: {  	v15 =	vld.idx.msk [tilespmem:v15+s5+$0x0], $0xffff;
	[tilespmem:s19+$0xFFFFFF20] =	vst v2  }
0x3e: {  	v8 =	vld.idx.msk [tilespmem:v8+s5+$0x0], $0xffff;
	[tilespmem:s19+$0xFFFFFF30] =	vst v3  }
0x3f: {  	[tilespmem:s19+$0xFFFFFF40] =	vst v4;
	v0 =	vld.idx.msk [tilespmem:v9+s5+$0x0], $0xffff  }
0x40: {  	[tilespmem:s19+$0xFFFFFF50] =	vst v5;
	v1 =	vld.idx.msk [tilespmem:v10+s5+$0x0], $0xffff  }
0x41: {  	[tilespmem:s19+$0xFFFFFF60] =	vst v6;
	v2 =	vld.idx.msk [tilespmem:v11+s5+$0x0], $0xffff  }
0x42: {  	[tilespmem:s19+$0xFFFFFF70] =	vst v7;
	v3 =	vld.idx.msk [tilespmem:v12+s5+$0x0], $0xffff  }
0x43: {  	[tilespmem:s19+$0xFFFFFF00] =	vst v15;
	v4 =	vld.idx.msk [tilespmem:v13+s5+$0x0], $0xffff  }
0x44: {  	s21 =	simm.s32 $0x0;
	s22 =	sadd.s32 $0x100, s18;
	s20 =	sor.u32 $0x1C700, s20;
	[tilespmem:s19+$0x0] =	vst v8;
	v5 =	vld.idx.msk [tilespmem:v14+s5+$0x0], $0xffff  }
.LBB2_4:
0x45: {  	v6 =	vld [tilespmem:s22+$0x70];
	s21 =	sadd.s32 $0x100, s21;
	[tilespmem:s19+$0x10] =	vst v0  }
0x46: {  	v0 =	vld [tilespmem:s22+$0xFFFFFF90];
	p1 =	slt.u32 s21, $0xF00;
	[tilespmem:s19+$0x20] =	vst v1  }
0x47: {  	v1 =	vld [tilespmem:s22+$0xFFFFFFA0];
	[tilespmem:s19+$0x30] =	vst v2  }
0x48: {  	v2 =	vld [tilespmem:s22+$0xFFFFFFB0];
	[tilespmem:s19+$0x40] =	vst v3  }
0x49: {  	v3 =	vld [tilespmem:s22+$0xFFFFFFC0];
	[tilespmem:s19+$0x50] =	vst v4  }
0x4a: {  	v4 =	vld [tilespmem:s22+$0xFFFFFFD0];
	[tilespmem:s19+$0x60] =	vst v5  }
0x4b: {  	v5 =	vld [tilespmem:s22+$0xFFFFFFE0]  }
0x4c: {  	v7 =	vld [tilespmem:s22+$0xFFFFFFF0]  }
0x4d: {  	v6 =	vld.idx.msk [tilespmem:v6+s5+$0x0], $0xffff  }
0x4e: {  	v8 =	vld [tilespmem:s22+$0x0]  }
0x4f: {  	v9 =	vld [tilespmem:s22+$0x10]  }
0x50: {  	v10 =	vld [tilespmem:s22+$0x20]  }
0x51: {  	v11 =	vld [tilespmem:s22+$0x30]  }
0x52: {  	s19 =	sadd.s32 $0x200, s19;
	v12 =	vld [tilespmem:s22+$0x40]  }
0x53: {  	v13 =	vld [tilespmem:s22+$0x50];
	[tilespmem:s19+$0x70] =	vst v6  }
0x54: {  	v6 =	vld [tilespmem:s22+$0x60]  }
0x55: {  	v14 =	vld [tilespmem:s22+$0xFFFFFF80]  }
0x56: {  	v0 =	vld.idx.msk [tilespmem:v0+s5+$0x0], $0xffff  }
0x57: {  	v1 =	vld.idx.msk [tilespmem:v1+s5+$0x0], $0xffff  }
0x58: {  	v2 =	vld.idx.msk [tilespmem:v2+s5+$0x0], $0xffff  }
0x59: {  	v3 =	vld.idx.msk [tilespmem:v3+s5+$0x0], $0xffff  }
0x5a: {  	v4 =	vld.idx.msk [tilespmem:v4+s5+$0x0], $0xffff  }
0x5b: {  	v5 =	vld.idx.msk [tilespmem:v5+s5+$0x0], $0xffff  }
0x5c: {  	[tilespmem:s19+$0xFFFFFF10] =	vst v0;
	v7 =	vld.idx.msk [tilespmem:v7+s5+$0x0], $0xffff  }
0x5d: {  	v14 =	vld.idx.msk [tilespmem:v14+s5+$0x0], $0xffff;
	[tilespmem:s19+$0xFFFFFF20] =	vst v1  }
0x5e: {  	[tilespmem:s19+$0xFFFFFF30] =	vst v2;
	v8 =	vld.idx.msk [tilespmem:v8+s5+$0x0], $0xffff  }
0x5f: {  	[tilespmem:s19+$0xFFFFFF40] =	vst v3;
	v0 =	vld.idx.msk [tilespmem:v9+s5+$0x0], $0xffff  }
.Ltmp0:
0x60: {  	[tilespmem:s19+$0xFFFFFF50] =	vst v4;
	v1 =	vld.idx.msk [tilespmem:v10+s5+$0x0], $0xffff;
	(pc) =	sbr.rel @p1 .LBB2_4-.Ltmp0, $4  }
0x61: {  	[tilespmem:s19+$0xFFFFFF60] =	vst v5;
	v2 =	vld.idx.msk [tilespmem:v11+s5+$0x0], $0xffff  }
0x62: {  	[tilespmem:s19+$0xFFFFFF70] =	vst v7;
	v3 =	vld.idx.msk [tilespmem:v12+s5+$0x0], $0xffff  }
0x63: {  	[tilespmem:s19+$0xFFFFFF00] =	vst v14;
	v4 =	vld.idx.msk [tilespmem:v13+s5+$0x0], $0xffff  }
0x64: {  	s22 =	sadd.s32 $0x100, s22;
	[tilespmem:s19+$0x0] =	vst v8;
	v5 =	vld.idx.msk [tilespmem:v6+s5+$0x0], $0xffff  }
0x65: {  	[tilespmem:s19+$0x10] =	vst v0  }
0x66: {  	[tilespmem:s19+$0x20] =	vst v1;
	s21 =	sshll.u32 s17, $0xF  }
0x67: {  	[tilespmem:s19+$0x30] =	vst v2;
	s21 =	sadd.s32 s16, s21  }
0x68: {  	[tilespmem:s19+$0x40] =	vst v3;
	s21 =	sshrl.u32 s21, $0x3  }
0x69: {  	[tilespmem:s19+$0x50] =	vst v4;
	s21 =	sadd.s32 s3, s21  }
0x6a: {  	s22 =	sadd.s32 $0x100, s20;
	[tilespmem:s19+$0x60] =	vst v5;
	s19 =	simm.s32 $0x80;
	s23 =	sadd.s32 $0x0, s21  }
.LBB2_6:
0x6b: {  	[hbm4b:s23+s5] =	stream.linear.scatter [tilespmem:s20], [sflag:$0x3], $0x80, $0x38;
	[tilespmem:$0x1E700] =	vst v63  }
0x6c: {  	s23 =	smov.u32 s19;
	s20 =	smov.u32 s22;
	p1 =	sne.s32 s19, $0xF80  }
.Ltmp1:
0x6d: {  	s19 =	sadd.s32 $0x80, s19;
	(pc) =	sbr.rel @p1 .LBB2_6-.Ltmp1, $2  }
0x6e: {  	_ =	sdelay $0x2  }
0x6f: {  	s22 =	sadd.s32 $0x100, s22;
	s23 =	sadd.s32 s23, s21  }
0x70: {  	s17 =	sadd.s32 $0x1, s17  }
0x71: {  	p1 =	sne.s32 s17, $0x4  }
.Ltmp2:
0x72: {  	_ = 	snop;
	(pc) =	sbr.rel @p1 .LBB2_3-.Ltmp2, $3  }
0x73: {  	_ =	sdelay $0x1  }
0x74: {  	[hbm4b:s23+s5] =	stream.linear.scatter [tilespmem:s20], [sflag:$0x3], $0x80, $0x38;
	[tilespmem:$0x1E700] =	vst v63  }
0x75: {  	p0 =	por !p0, !p0;
	s18 =	sadd.s32 $0x1000, s18  }
0x76: {  	s15 =	sadd.s32 $0x1, s15  }
0x77: {  	_ =	swait.ge [sflag:s13], $0x1000;
	p0 =	sne.s32 s15, $0x1A  }
.Ltmp3:
0x78: {  	[sflag:s13] =	ssyncset.done $0x0;
	(pc) =	sbr.rel @p0 .LBB2_2-.Ltmp3, $4  }
0x79: {  	[sflag:s13] =	ssyncadd.s32 $0xFFFFF000  }
0x7a: {  	_ =	swait.ge [sflag:s13], $0x1000  }
0x7b: {  	[sflag:s13] =	ssyncset.done $0x0  }
0x7c: {  	[sflag:s13] =	ssyncadd.s32 $0xFFFFF000  }
0x7d: {  	s14 =	sadd.s32 $0x1, s14  }
0x7e: {  	p0 =	sne.s32 s14, s7  }
.Ltmp4:
0x7f: {  	_ = 	snop;
	(pc) =	sbr.rel @p0 .LBB2_1-.Ltmp4, $1  }
0x80: {  	_ =	sdelay $0x3  }
0x81: {  	_ =	sfence.sel $0x180000  }
0x82: {  	[bflag:$0x0] =	sbarrier.arrive $0xFFFF  }
0x83: {  	p0 =	sne.s32 s4, $0x0;
	_ =	strace $0x90000047  }
0x84: {  	s0 =	sadd.s32 @!p0 $0x100000, s0;
	[bflag:$0x2] =	sbarrier.arrive $0xFFFF  }
0x85: {  	[sflag:s0] =	ssyncadd.tile.s32 @!p0 $0x1;
	_ =	shalt  }
.Lfunc_end2:
_tile_overlayer_lowered:
.L_overlay_start_2:
0x86: {  	(tag) =	ssettag $0x2  }
0x87: {  	s0 =	rddreg [dreg:$0x0];
	s2 =	stileid.u32  }
0x88: {  	s1 =	rddreg [dreg:$0x1];
	p0 =	sne.s32 s2, $0x0  }
0x89: {  	s3 =	rddreg [dreg:$0x2];
	[bflag:$0x3] =	sbarrier.arrive $0xFFFF;
	s2 =	simm.s32 @!p0 $0x1C04  }
0x8a: {  	[timem:s3], [sflag:s2] =	dma.local @!p0 [hbm:s0], s1  }
0x8b: {  	s0 =	simm.s32 @!p0 $0x4  }
0x8c: {  	_ =	swait.ge @!p0 [sflag:s0], s1  }
0x8d: {  	s1 =	ssub.s32 @!p0 $0x0, s1;
	[sflag:s0] =	ssyncset.done @!p0 $0x0  }
0x8e: {  	[sflag:s0] =	ssyncadd.s32 @!p0 s1  }
0x8f: {  	[bflag:$0x3] =	sbarrier.arrive $0xFFFF  }
0x90: {  	_ =	shalt  }

</sc_bundles>
